<compile_context>
chip_gen: v7x
topology: tpu7x:2x2x1
jax: 0.10.2.dev20260603
libtpu: 0.0.44.dev20260713+nightly
codegen_flags: <defaults>
</compile_context>

<pallas_src>
import functools

import jax
import jax.numpy as jnp
from jax import lax
from jax.experimental import pallas as pl
from jax.experimental.pallas import tpu as pltpu
from jax.experimental.pallas import tpu_sc as plsc

N_E = 8192
E_DIM = 64
BETA = 0.25
ROWS = 512


def _dist_body(zf_ref, emb_ref, esq_ref, iota_ref, idx_ref):
    zb = zf_ref[...]
    zsq = jnp.sum(zb * zb, axis=1, keepdims=True)
    emb = emb_ref[...]
    mm = lax.dot_general(
        zb, emb, (((1,), (1,)), ((), ())),
        preferred_element_type=jnp.float32)
    d = (zsq + esq_ref[...]) - 2.0 * mm
    mval = jnp.min(d, axis=1, keepdims=True)
    idxf = jnp.min(jnp.where(d == mval, iota_ref[...], jnp.float32(1e9)),
                   axis=1)
    idx = idxf.astype(jnp.int32)
    idx_ref[...] = idx.reshape(1, ROWS // 128, 128)


def _argmin_indices(zf, esq, embedding):
    n = zf.shape[0]
    nt = n // ROWS
    r128 = ROWS // 128
    iota = jnp.arange(N_E, dtype=jnp.float32).reshape(1, N_E)
    idx = pl.pallas_call(
        _dist_body,
        grid=(nt,),
        in_specs=[
            pl.BlockSpec((ROWS, E_DIM), lambda i: (i, 0)),
            pl.BlockSpec((N_E, E_DIM), lambda i: (0, 0)),
            pl.BlockSpec((1, N_E), lambda i: (0, 0)),
            pl.BlockSpec((1, N_E), lambda i: (0, 0)),
        ],
        out_specs=pl.BlockSpec((1, r128, 128), lambda i: (i, 0, 0)),
        out_shape=jax.ShapeDtypeStruct((nt, r128, 128), jnp.int32),
    )(zf, embedding, esq, iota)
    return idx


@functools.lru_cache(maxsize=None)
def _make_sc_gather(B, NC, NS):
    NW = NC * NS
    bw = B // NW
    kc = bw // 128
    mesh = plsc.VectorSubcoreMesh(core_axis_name="c", subcore_axis_name="s")

    @functools.partial(
        pl.kernel,
        out_type=[
            jax.ShapeDtypeStruct((B, E_DIM), jnp.float32),
            jax.ShapeDtypeStruct((NW, 16), jnp.float32),
        ],
        mesh=mesh,
        compiler_params=pltpu.CompilerParams(use_tc_tiling_on_sc=False),
        scratch_types=[
            pltpu.VMEM((kc, 128), jnp.int32),
            pltpu.VMEM((bw, E_DIM), jnp.float32),
            pltpu.VMEM((bw, E_DIM), jnp.float32),
            pltpu.VMEM((16,), jnp.float32),
            pltpu.SemaphoreType.DMA,
        ],
    )
    def gather_k(emb_hbm, idx_hbm, zf_hbm, qt_hbm, part_hbm,
                 idx_v, rows_v, zf_v, acc_v, sem):
        wid = lax.axis_index("s") * NC + lax.axis_index("c")
        base = wid * bw
        pltpu.sync_copy(idx_hbm.at[wid], idx_v)
        cps = [pltpu.async_copy(emb_hbm.at[idx_v.at[k]],
                                rows_v.at[pl.ds(k * 128, 128)], sem)
               for k in range(kc)]
        pltpu.sync_copy(zf_hbm.at[pl.ds(base, bw)], zf_v)
        for cp in cps:
            cp.wait()

        def body(j, acc):
            for c in range(E_DIM // 16):
                zq = rows_v[j, pl.ds(c * 16, 16)]
                zb = zf_v[j, pl.ds(c * 16, 16)]
                dq = zq - zb
                rows_v[j, pl.ds(c * 16, 16)] = zb + dq
                acc = acc + dq * dq
            return acc

        acc = lax.fori_loop(0, bw, body, jnp.zeros((16,), jnp.float32))
        acc_v[...] = acc
        pltpu.sync_copy(rows_v, qt_hbm.at[pl.ds(base, bw)])
        pltpu.sync_copy(acc_v, part_hbm.at[wid])

    return gather_k


def kernel(z, embedding):
    b, c, h, w = z.shape
    n = b * h * w
    zf = jnp.transpose(z, (0, 2, 3, 1)).reshape(-1, c)
    esq = jnp.sum(embedding ** 2, axis=1).reshape(1, -1)
    idx2 = _argmin_indices(zf, esq, embedding)
    info = plsc.get_sparse_core_info()
    gather_k = _make_sc_gather(n, info.num_cores, info.num_subcores)
    qt, part = gather_k(embedding, idx2, zf)
    quantized = jnp.transpose(qt.reshape(b, h, w, c), (0, 3, 1, 2))
    m = jnp.sum(part) / (n * c)
    loss = m + BETA * m
    min_indices = idx2.reshape(-1)
    return quantized, loss, min_indices

# --- scband reference (transcript-rebuilt; emitter-appended) ---
"""Pipeline reference for scband-vector-quantizer-7395933684078 (READ-ONLY COPY).

The authoritative reference and input builder live on the scoring server;
editing this copy changes nothing except your own understanding.
"""

import jax, jax.numpy as jnp
import numpy as np

N_E = 8192
E_DIM = 64
BETA = 0.25

def setup_inputs(seed: int = 0) -> dict:
    key = jax.random.key(seed)
    k1, k2 = jax.random.split(key)
    z = jax.random.normal(k1, (16, 64, 32, 32), dtype=jnp.float32)
    embedding = jax.random.uniform(k2, (N_E, E_DIM), minval=-1.0 / N_E, maxval=1.0 / N_E, dtype=jnp.float32)
    return {"z": z, "embedding": embedding}

def reference(z, embedding):
    # b c h w -> b h w c
    zp = jnp.transpose(z, (0, 2, 3, 1))
    z_flat = zp.reshape(-1, E_DIM)
    # squared L2 distances to all codebook entries
    d = (jnp.sum(z_flat ** 2, axis=1, keepdims=True)
         + jnp.sum(embedding ** 2, axis=1)
         - 2.0 * (z_flat @ embedding.T))
    min_indices = jnp.argmin(d, axis=1)
    z_q = jnp.take(embedding, min_indices, axis=0).reshape(zp.shape)
    # legacy=True: mse(sg(z_q), z) + beta * mse(z_q, sg(z))
    loss = (jnp.mean((jax.lax.stop_gradient(z_q) - zp) ** 2)
            + BETA * jnp.mean((z_q - jax.lax.stop_gradient(zp)) ** 2))
    # straight-through estimator
    z_q_st = zp + jax.lax.stop_gradient(z_q - zp)
    quantized = jnp.transpose(z_q_st, (0, 3, 1, 2))
    return quantized, loss, min_indices

if __name__ == "__main__":
    import jax
    _d = setup_inputs()
    print(jax.jit(kernel)(*tuple(_d.values())))

</pallas_src>

<mosaic_0001>
#map = affine_map<(d0, d1) -> (0, 0)>
#map1 = affine_map<(d0, d1) -> (0, 0, 0)>
module attributes {stable_mosaic.version = 14 : i64} {
  func.func @gather_k(%arg0: i32, %arg1: i32, %arg2: memref<8192x64xf32, #tpu.memory_space<hbm>>, %arg3: memref<32x4x128xi32, #tpu.memory_space<hbm>>, %arg4: memref<16384x64xf32, #tpu.memory_space<hbm>>, %arg5: memref<16384x64xf32, #tpu.memory_space<hbm>>, %arg6: memref<32x16xf32, #tpu.memory_space<hbm>>, %arg7: memref<4x128xi32, #tpu.memory_space<vmem>>, %arg8: memref<512x64xf32, #tpu.memory_space<vmem>>, %arg9: memref<512x64xf32, #tpu.memory_space<vmem>>, %arg10: memref<16xf32, #tpu.memory_space<vmem>>, %arg11: memref<!tpu.dma_semaphore, #tpu.memory_space<semaphore_mem>>) attributes {dimension_semantics = [#tpu.dimension_semantics<core_parallel>, #tpu.dimension_semantics<subcore_parallel>], iteration_bounds = array<i64: 2, 16>, scalar_prefetch = 0 : i64, scratch_operands = 5 : i64, tpu.core_type = #tpu.core_type<sc_vector_subcore>, window_params = [{transform_indices = #map}, {transform_indices = #map1}, {transform_indices = #map}, {transform_indices = #map}, {transform_indices = #map}]} {
    %mul3A = arith.constant 2 : i32
    %mul3A_0 = arith.muli %arg1, %mul3A : i32
    %add3A = arith.addi %mul3A_0, %arg0 : i32
    %mul3A_1 = arith.constant 512 : i32
    %mul3A_2 = arith.muli %add3A, %mul3A_1 : i32
    "tpu.region"() ({
      %run_scoped3A = tpu.sem_alloc : memref<!tpu.dma_semaphore, #tpu.memory_space<semaphore_mem>>
      %dma_start3A_90 = arith.constant 0 : i32
      %dma_start3A_91 = arith.constant 0 : i32
      %dma_start3A_92 = tpu.memref_slice %arg3[%add3A, %dma_start3A_90, %dma_start3A_91] : memref<32x4x128xi32, #tpu.memory_space<hbm>> -> memref<1x4x128xi32, #tpu.memory_space<hbm>>
      %dma_start3A_93 = tpu.memref_squeeze %dma_start3A_92 : memref<1x4x128xi32, #tpu.memory_space<hbm>> -> memref<4x128xi32, #tpu.memory_space<hbm>>
      %dma_start3A_94 = arith.constant 0 : i32
      %dma_start3A_95 = arith.constant 0 : i32
      %dma_start3A_96 = tpu.memref_slice %arg3[%add3A, %dma_start3A_94, %dma_start3A_95] : memref<32x4x128xi32, #tpu.memory_space<hbm>> -> memref<1x4x128xi32, #tpu.memory_space<hbm>>
      %dma_start3A_97 = tpu.memref_squeeze %dma_start3A_96 : memref<1x4x128xi32, #tpu.memory_space<hbm>> -> memref<4x128xi32, #tpu.memory_space<hbm>>
      tpu.enqueue_dma source(%dma_start3A_97 : memref<4x128xi32, #tpu.memory_space<hbm>>) target(%arg7 : memref<4x128xi32, #tpu.memory_space<vmem>>) target_semaphore(%run_scoped3A : memref<!tpu.dma_semaphore, #tpu.memory_space<semaphore_mem>>)
      %dma_wait3A_98 = arith.constant 0 : i32
      %dma_wait3A_99 = arith.constant 0 : i32
      %dma_wait3A_100 = tpu.memref_slice %arg3[%add3A, %dma_wait3A_98, %dma_wait3A_99] : memref<32x4x128xi32, #tpu.memory_space<hbm>> -> memref<1x4x128xi32, #tpu.memory_space<hbm>>
      %dma_wait3A_101 = tpu.memref_squeeze %dma_wait3A_100 : memref<1x4x128xi32, #tpu.memory_space<hbm>> -> memref<4x128xi32, #tpu.memory_space<hbm>>
      %dma_wait3A_102 = arith.constant 0 : i32
      %dma_wait3A_103 = arith.constant 0 : i32
      %dma_wait3A_104 = tpu.memref_slice %arg3[%add3A, %dma_wait3A_102, %dma_wait3A_103] : memref<32x4x128xi32, #tpu.memory_space<hbm>> -> memref<1x4x128xi32, #tpu.memory_space<hbm>>
      %dma_wait3A_105 = tpu.memref_squeeze %dma_wait3A_104 : memref<1x4x128xi32, #tpu.memory_space<hbm>> -> memref<4x128xi32, #tpu.memory_space<hbm>>
      tpu.wait_dma2 semaphore(%run_scoped3A : memref<!tpu.dma_semaphore, #tpu.memory_space<semaphore_mem>>) src(%dma_wait3A_105 : memref<4x128xi32, #tpu.memory_space<hbm>>) dst(%arg7 : memref<4x128xi32, #tpu.memory_space<vmem>>)
      tpu.yield
    }) : () -> ()
    %dma_start3A = arith.constant 0 : i32
    %dma_start3A_3 = arith.constant 0 : i32
    %dma_start3A_4 = arith.constant 0 : i32
    %dma_start3A_5 = tpu.memref_slice %arg8[%dma_start3A_3, %dma_start3A_4] : memref<512x64xf32, #tpu.memory_space<vmem>> -> memref<128x64xf32, #tpu.memory_space<vmem>>
    %dma_start3A_6 = arith.constant 0 : i32
    %dma_start3A_7 = tpu.memref_slice %arg7[%dma_start3A, %dma_start3A_6] : memref<4x128xi32, #tpu.memory_space<vmem>> -> memref<1x128xi32, #tpu.memory_space<vmem>>
    %dma_start3A_8 = tpu.memref_squeeze %dma_start3A_7 : memref<1x128xi32, #tpu.memory_space<vmem>> -> memref<128xi32, #tpu.memory_space<vmem>>
    %dma_start3A_9 = arith.constant 0 : i32
    %dma_start3A_10 = arith.constant 0 : i32
    %dma_start3A_11 = tpu.memref_slice %arg2[%dma_start3A_9, %dma_start3A_10] : memref<8192x64xf32, #tpu.memory_space<hbm>> -> memref<8192x64xf32, #tpu.memory_space<hbm>>
    tpu.enqueue_indirect_dma source(%dma_start3A_11 : memref<8192x64xf32, #tpu.memory_space<hbm>>) target(%dma_start3A_5 : memref<128x64xf32, #tpu.memory_space<vmem>>) offsets(%dma_start3A_8 : memref<128xi32, #tpu.memory_space<vmem>>) semaphore(%arg11 : memref<!tpu.dma_semaphore, #tpu.memory_space<semaphore_mem>>)
    %dma_start3A_12 = arith.constant 1 : i32
    %dma_start3A_13 = arith.constant 128 : i32
    %dma_start3A_14 = arith.constant 0 : i32
    %dma_start3A_15 = tpu.memref_slice %arg8[%dma_start3A_13, %dma_start3A_14] : memref<512x64xf32, #tpu.memory_space<vmem>> -> memref<128x64xf32, #tpu.memory_space<vmem>>
    %dma_start3A_16 = arith.constant 0 : i32
    %dma_start3A_17 = tpu.memref_slice %arg7[%dma_start3A_12, %dma_start3A_16] : memref<4x128xi32, #tpu.memory_space<vmem>> -> memref<1x128xi32, #tpu.memory_space<vmem>>
    %dma_start3A_18 = tpu.memref_squeeze %dma_start3A_17 : memref<1x128xi32, #tpu.memory_space<vmem>> -> memref<128xi32, #tpu.memory_space<vmem>>
    %dma_start3A_19 = arith.constant 0 : i32
    %dma_start3A_20 = arith.constant 0 : i32
    %dma_start3A_21 = tpu.memref_slice %arg2[%dma_start3A_19, %dma_start3A_20] : memref<8192x64xf32, #tpu.memory_space<hbm>> -> memref<8192x64xf32, #tpu.memory_space<hbm>>
    tpu.enqueue_indirect_dma source(%dma_start3A_21 : memref<8192x64xf32, #tpu.memory_space<hbm>>) target(%dma_start3A_15 : memref<128x64xf32, #tpu.memory_space<vmem>>) offsets(%dma_start3A_18 : memref<128xi32, #tpu.memory_space<vmem>>) semaphore(%arg11 : memref<!tpu.dma_semaphore, #tpu.memory_space<semaphore_mem>>)
    %dma_start3A_22 = arith.constant 2 : i32
    %dma_start3A_23 = arith.constant 256 : i32
    %dma_start3A_24 = arith.constant 0 : i32
    %dma_start3A_25 = tpu.memref_slice %arg8[%dma_start3A_23, %dma_start3A_24] : memref<512x64xf32, #tpu.memory_space<vmem>> -> memref<128x64xf32, #tpu.memory_space<vmem>>
    %dma_start3A_26 = arith.constant 0 : i32
    %dma_start3A_27 = tpu.memref_slice %arg7[%dma_start3A_22, %dma_start3A_26] : memref<4x128xi32, #tpu.memory_space<vmem>> -> memref<1x128xi32, #tpu.memory_space<vmem>>
    %dma_start3A_28 = tpu.memref_squeeze %dma_start3A_27 : memref<1x128xi32, #tpu.memory_space<vmem>> -> memref<128xi32, #tpu.memory_space<vmem>>
    %dma_start3A_29 = arith.constant 0 : i32
    %dma_start3A_30 = arith.constant 0 : i32
    %dma_start3A_31 = tpu.memref_slice %arg2[%dma_start3A_29, %dma_start3A_30] : memref<8192x64xf32, #tpu.memory_space<hbm>> -> memref<8192x64xf32, #tpu.memory_space<hbm>>
    tpu.enqueue_indirect_dma source(%dma_start3A_31 : memref<8192x64xf32, #tpu.memory_space<hbm>>) target(%dma_start3A_25 : memref<128x64xf32, #tpu.memory_space<vmem>>) offsets(%dma_start3A_28 : memref<128xi32, #tpu.memory_space<vmem>>) semaphore(%arg11 : memref<!tpu.dma_semaphore, #tpu.memory_space<semaphore_mem>>)
    %dma_start3A_32 = arith.constant 3 : i32
    %dma_start3A_33 = arith.constant 384 : i32
    %dma_start3A_34 = arith.constant 0 : i32
    %dma_start3A_35 = tpu.memref_slice %arg8[%dma_start3A_33, %dma_start3A_34] : memref<512x64xf32, #tpu.memory_space<vmem>> -> memref<128x64xf32, #tpu.memory_space<vmem>>
    %dma_start3A_36 = arith.constant 0 : i32
    %dma_start3A_37 = tpu.memref_slice %arg7[%dma_start3A_32, %dma_start3A_36] : memref<4x128xi32, #tpu.memory_space<vmem>> -> memref<1x128xi32, #tpu.memory_space<vmem>>
    %dma_start3A_38 = tpu.memref_squeeze %dma_start3A_37 : memref<1x128xi32, #tpu.memory_space<vmem>> -> memref<128xi32, #tpu.memory_space<vmem>>
    %dma_start3A_39 = arith.constant 0 : i32
    %dma_start3A_40 = arith.constant 0 : i32
    %dma_start3A_41 = tpu.memref_slice %arg2[%dma_start3A_39, %dma_start3A_40] : memref<8192x64xf32, #tpu.memory_space<hbm>> -> memref<8192x64xf32, #tpu.memory_space<hbm>>
    tpu.enqueue_indirect_dma source(%dma_start3A_41 : memref<8192x64xf32, #tpu.memory_space<hbm>>) target(%dma_start3A_35 : memref<128x64xf32, #tpu.memory_space<vmem>>) offsets(%dma_start3A_38 : memref<128xi32, #tpu.memory_space<vmem>>) semaphore(%arg11 : memref<!tpu.dma_semaphore, #tpu.memory_space<semaphore_mem>>)
    "tpu.region"() ({
      %run_scoped3A = tpu.sem_alloc : memref<!tpu.dma_semaphore, #tpu.memory_space<semaphore_mem>>
      %dma_start3A_90 = arith.constant 0 : i32
      %dma_start3A_91 = tpu.memref_slice %arg4[%mul3A_2, %dma_start3A_90] : memref<16384x64xf32, #tpu.memory_space<hbm>> -> memref<512x64xf32, #tpu.memory_space<hbm>>
      %dma_start3A_92 = arith.constant 0 : i32
      %dma_start3A_93 = tpu.memref_slice %arg4[%mul3A_2, %dma_start3A_92] : memref<16384x64xf32, #tpu.memory_space<hbm>> -> memref<512x64xf32, #tpu.memory_space<hbm>>
      tpu.enqueue_dma source(%dma_start3A_93 : memref<512x64xf32, #tpu.memory_space<hbm>>) target(%arg9 : memref<512x64xf32, #tpu.memory_space<vmem>>) target_semaphore(%run_scoped3A : memref<!tpu.dma_semaphore, #tpu.memory_space<semaphore_mem>>)
      %dma_wait3A_94 = arith.constant 0 : i32
      %dma_wait3A_95 = tpu.memref_slice %arg4[%mul3A_2, %dma_wait3A_94] : memref<16384x64xf32, #tpu.memory_space<hbm>> -> memref<512x64xf32, #tpu.memory_space<hbm>>
      %dma_wait3A_96 = arith.constant 0 : i32
      %dma_wait3A_97 = tpu.memref_slice %arg4[%mul3A_2, %dma_wait3A_96] : memref<16384x64xf32, #tpu.memory_space<hbm>> -> memref<512x64xf32, #tpu.memory_space<hbm>>
      tpu.wait_dma2 semaphore(%run_scoped3A : memref<!tpu.dma_semaphore, #tpu.memory_space<semaphore_mem>>) src(%dma_wait3A_97 : memref<512x64xf32, #tpu.memory_space<hbm>>) dst(%arg9 : memref<512x64xf32, #tpu.memory_space<vmem>>)
      tpu.yield
    }) : () -> ()
    %dma_wait3A = arith.constant 0 : i32
    %dma_wait3A_42 = arith.constant 0 : i32
    %dma_wait3A_43 = arith.constant 0 : i32
    %dma_wait3A_44 = tpu.memref_slice %arg8[%dma_wait3A_42, %dma_wait3A_43] : memref<512x64xf32, #tpu.memory_space<vmem>> -> memref<128x64xf32, #tpu.memory_space<vmem>>
    %dma_wait3A_45 = arith.constant 0 : i32
    %dma_wait3A_46 = tpu.memref_slice %arg7[%dma_wait3A, %dma_wait3A_45] : memref<4x128xi32, #tpu.memory_space<vmem>> -> memref<1x128xi32, #tpu.memory_space<vmem>>
    %dma_wait3A_47 = tpu.memref_squeeze %dma_wait3A_46 : memref<1x128xi32, #tpu.memory_space<vmem>> -> memref<128xi32, #tpu.memory_space<vmem>>
    %dma_wait3A_48 = arith.constant 0 : i32
    %dma_wait3A_49 = arith.constant 0 : i32
    %dma_wait3A_50 = tpu.memref_slice %arg2[%dma_wait3A_48, %dma_wait3A_49] : memref<8192x64xf32, #tpu.memory_space<hbm>> -> memref<8192x64xf32, #tpu.memory_space<hbm>>
    tpu.wait_indirect_dma semaphore(%arg11 : memref<!tpu.dma_semaphore, #tpu.memory_space<semaphore_mem>>) src(%dma_wait3A_50 : memref<8192x64xf32, #tpu.memory_space<hbm>>) dst(%dma_wait3A_44 : memref<128x64xf32, #tpu.memory_space<vmem>>)
    %dma_wait3A_51 = arith.constant 1 : i32
    %dma_wait3A_52 = arith.constant 128 : i32
    %dma_wait3A_53 = arith.constant 0 : i32
    %dma_wait3A_54 = tpu.memref_slice %arg8[%dma_wait3A_52, %dma_wait3A_53] : memref<512x64xf32, #tpu.memory_space<vmem>> -> memref<128x64xf32, #tpu.memory_space<vmem>>
    %dma_wait3A_55 = arith.constant 0 : i32
    %dma_wait3A_56 = tpu.memref_slice %arg7[%dma_wait3A_51, %dma_wait3A_55] : memref<4x128xi32, #tpu.memory_space<vmem>> -> memref<1x128xi32, #tpu.memory_space<vmem>>
    %dma_wait3A_57 = tpu.memref_squeeze %dma_wait3A_56 : memref<1x128xi32, #tpu.memory_space<vmem>> -> memref<128xi32, #tpu.memory_space<vmem>>
    %dma_wait3A_58 = arith.constant 0 : i32
    %dma_wait3A_59 = arith.constant 0 : i32
    %dma_wait3A_60 = tpu.memref_slice %arg2[%dma_wait3A_58, %dma_wait3A_59] : memref<8192x64xf32, #tpu.memory_space<hbm>> -> memref<8192x64xf32, #tpu.memory_space<hbm>>
    tpu.wait_indirect_dma semaphore(%arg11 : memref<!tpu.dma_semaphore, #tpu.memory_space<semaphore_mem>>) src(%dma_wait3A_60 : memref<8192x64xf32, #tpu.memory_space<hbm>>) dst(%dma_wait3A_54 : memref<128x64xf32, #tpu.memory_space<vmem>>)
    %dma_wait3A_61 = arith.constant 2 : i32
    %dma_wait3A_62 = arith.constant 256 : i32
    %dma_wait3A_63 = arith.constant 0 : i32
    %dma_wait3A_64 = tpu.memref_slice %arg8[%dma_wait3A_62, %dma_wait3A_63] : memref<512x64xf32, #tpu.memory_space<vmem>> -> memref<128x64xf32, #tpu.memory_space<vmem>>
    %dma_wait3A_65 = arith.constant 0 : i32
    %dma_wait3A_66 = tpu.memref_slice %arg7[%dma_wait3A_61, %dma_wait3A_65] : memref<4x128xi32, #tpu.memory_space<vmem>> -> memref<1x128xi32, #tpu.memory_space<vmem>>
    %dma_wait3A_67 = tpu.memref_squeeze %dma_wait3A_66 : memref<1x128xi32, #tpu.memory_space<vmem>> -> memref<128xi32, #tpu.memory_space<vmem>>
    %dma_wait3A_68 = arith.constant 0 : i32
    %dma_wait3A_69 = arith.constant 0 : i32
    %dma_wait3A_70 = tpu.memref_slice %arg2[%dma_wait3A_68, %dma_wait3A_69] : memref<8192x64xf32, #tpu.memory_space<hbm>> -> memref<8192x64xf32, #tpu.memory_space<hbm>>
    tpu.wait_indirect_dma semaphore(%arg11 : memref<!tpu.dma_semaphore, #tpu.memory_space<semaphore_mem>>) src(%dma_wait3A_70 : memref<8192x64xf32, #tpu.memory_space<hbm>>) dst(%dma_wait3A_64 : memref<128x64xf32, #tpu.memory_space<vmem>>)
    %dma_wait3A_71 = arith.constant 3 : i32
    %dma_wait3A_72 = arith.constant 384 : i32
    %dma_wait3A_73 = arith.constant 0 : i32
    %dma_wait3A_74 = tpu.memref_slice %arg8[%dma_wait3A_72, %dma_wait3A_73] : memref<512x64xf32, #tpu.memory_space<vmem>> -> memref<128x64xf32, #tpu.memory_space<vmem>>
    %dma_wait3A_75 = arith.constant 0 : i32
    %dma_wait3A_76 = tpu.memref_slice %arg7[%dma_wait3A_71, %dma_wait3A_75] : memref<4x128xi32, #tpu.memory_space<vmem>> -> memref<1x128xi32, #tpu.memory_space<vmem>>
    %dma_wait3A_77 = tpu.memref_squeeze %dma_wait3A_76 : memref<1x128xi32, #tpu.memory_space<vmem>> -> memref<128xi32, #tpu.memory_space<vmem>>
    %dma_wait3A_78 = arith.constant 0 : i32
    %dma_wait3A_79 = arith.constant 0 : i32
    %dma_wait3A_80 = tpu.memref_slice %arg2[%dma_wait3A_78, %dma_wait3A_79] : memref<8192x64xf32, #tpu.memory_space<hbm>> -> memref<8192x64xf32, #tpu.memory_space<hbm>>
    tpu.wait_indirect_dma semaphore(%arg11 : memref<!tpu.dma_semaphore, #tpu.memory_space<semaphore_mem>>) src(%dma_wait3A_80 : memref<8192x64xf32, #tpu.memory_space<hbm>>) dst(%dma_wait3A_74 : memref<128x64xf32, #tpu.memory_space<vmem>>)
    %broadcast_in_dim3A = arith.constant 0.000000e+00 : f32
    %broadcast_in_dim3A_81 = vector.broadcast %broadcast_in_dim3A : f32 to vector<16xf32>
    %scan3A = arith.constant 0 : i32
    %scan3A_82 = arith.constant 512 : i32
    %scan3A_83 = arith.addi %scan3A, %scan3A_82 : i32
    %scan3A_84 = arith.constant 1 : i32
    %scan3A_85 = scf.for %scan3A_90 = %scan3A to %scan3A_83 step %scan3A_84 iter_args(%scan3A_91 = %broadcast_in_dim3A_81) -> (vector<16xf32>)  : i32 {
      %get3A = arith.index_cast %scan3A_90 : i32 to index
      %get3A_92 = arith.constant 0 : index
      %get3A_93 = tpu.vector_load %arg8[%get3A, %get3A_92] {strides = array<i32>} : memref<512x64xf32, #tpu.memory_space<vmem>>, vector<1x16xf32>,
      %get3A_94 = vector.shape_cast %get3A_93 : vector<1x16xf32> to vector<16xf32>
      %get3A_95 = arith.index_cast %scan3A_90 : i32 to index
      %get3A_96 = arith.constant 0 : index
      %get3A_97 = tpu.vector_load %arg9[%get3A_95, %get3A_96] {strides = array<i32>} : memref<512x64xf32, #tpu.memory_space<vmem>>, vector<1x16xf32>,
      %get3A_98 = vector.shape_cast %get3A_97 : vector<1x16xf32> to vector<16xf32>
      %sub3A = arith.subf %get3A_94, %get3A_98 : vector<16xf32>
      %add3A_99 = arith.addf %get3A_98, %sub3A : vector<16xf32>
      %swap3A_100 = arith.index_cast %scan3A_90 : i32 to index
      %swap3A_101 = arith.constant 0 : index
      %swap3A_102 = tpu.vector_load %arg8[%swap3A_100, %swap3A_101] {strides = array<i32>} : memref<512x64xf32, #tpu.memory_space<vmem>>, vector<1x16xf32>,
      %swap3A_103 = vector.shape_cast %swap3A_102 : vector<1x16xf32> to vector<16xf32>
      %swap3A_104 = vector.shape_cast %add3A_99 : vector<16xf32> to vector<1x16xf32>
      tpu.vector_store %arg8[%swap3A_100, %swap3A_101], %swap3A_104 {strides = array<i32>} : memref<512x64xf32, #tpu.memory_space<vmem>>, vector<1x16xf32>,
      %mul3A_105 = arith.mulf %sub3A, %sub3A : vector<16xf32>
      %add3A_106 = arith.addf %scan3A_91, %mul3A_105 : vector<16xf32>
      %get3A_107 = arith.index_cast %scan3A_90 : i32 to index
      %get3A_108 = arith.constant 16 : index
      %get3A_109 = tpu.vector_load %arg8[%get3A_107, %get3A_108] {strides = array<i32>} : memref<512x64xf32, #tpu.memory_space<vmem>>, vector<1x16xf32>,
      %get3A_110 = vector.shape_cast %get3A_109 : vector<1x16xf32> to vector<16xf32>
      %get3A_111 = arith.index_cast %scan3A_90 : i32 to index
      %get3A_112 = arith.constant 16 : index
      %get3A_113 = tpu.vector_load %arg9[%get3A_111, %get3A_112] {strides = array<i32>} : memref<512x64xf32, #tpu.memory_space<vmem>>, vector<1x16xf32>,
      %get3A_114 = vector.shape_cast %get3A_113 : vector<1x16xf32> to vector<16xf32>
      %sub3A_115 = arith.subf %get3A_110, %get3A_114 : vector<16xf32>
      %add3A_116 = arith.addf %get3A_114, %sub3A_115 : vector<16xf32>
      %swap3A_117 = arith.index_cast %scan3A_90 : i32 to index
      %swap3A_118 = arith.constant 16 : index
      %swap3A_119 = tpu.vector_load %arg8[%swap3A_117, %swap3A_118] {strides = array<i32>} : memref<512x64xf32, #tpu.memory_space<vmem>>, vector<1x16xf32>,
      %swap3A_120 = vector.shape_cast %swap3A_119 : vector<1x16xf32> to vector<16xf32>
      %swap3A_121 = vector.shape_cast %add3A_116 : vector<16xf32> to vector<1x16xf32>
      tpu.vector_store %arg8[%swap3A_117, %swap3A_118], %swap3A_121 {strides = array<i32>} : memref<512x64xf32, #tpu.memory_space<vmem>>, vector<1x16xf32>,
      %mul3A_122 = arith.mulf %sub3A_115, %sub3A_115 : vector<16xf32>
      %add3A_123 = arith.addf %add3A_106, %mul3A_122 : vector<16xf32>
      %get3A_124 = arith.index_cast %scan3A_90 : i32 to index
      %get3A_125 = arith.constant 32 : index
      %get3A_126 = tpu.vector_load %arg8[%get3A_124, %get3A_125] {strides = array<i32>} : memref<512x64xf32, #tpu.memory_space<vmem>>, vector<1x16xf32>,
      %get3A_127 = vector.shape_cast %get3A_126 : vector<1x16xf32> to vector<16xf32>
      %get3A_128 = arith.index_cast %scan3A_90 : i32 to index
      %get3A_129 = arith.constant 32 : index
      %get3A_130 = tpu.vector_load %arg9[%get3A_128, %get3A_129] {strides = array<i32>} : memref<512x64xf32, #tpu.memory_space<vmem>>, vector<1x16xf32>,
      %get3A_131 = vector.shape_cast %get3A_130 : vector<1x16xf32> to vector<16xf32>
      %sub3A_132 = arith.subf %get3A_127, %get3A_131 : vector<16xf32>
      %add3A_133 = arith.addf %get3A_131, %sub3A_132 : vector<16xf32>
      %swap3A_134 = arith.index_cast %scan3A_90 : i32 to index
      %swap3A_135 = arith.constant 32 : index
      %swap3A_136 = tpu.vector_load %arg8[%swap3A_134, %swap3A_135] {strides = array<i32>} : memref<512x64xf32, #tpu.memory_space<vmem>>, vector<1x16xf32>,
      %swap3A_137 = vector.shape_cast %swap3A_136 : vector<1x16xf32> to vector<16xf32>
      %swap3A_138 = vector.shape_cast %add3A_133 : vector<16xf32> to vector<1x16xf32>
      tpu.vector_store %arg8[%swap3A_134, %swap3A_135], %swap3A_138 {strides = array<i32>} : memref<512x64xf32, #tpu.memory_space<vmem>>, vector<1x16xf32>,
      %mul3A_139 = arith.mulf %sub3A_132, %sub3A_132 : vector<16xf32>
      %add3A_140 = arith.addf %add3A_123, %mul3A_139 : vector<16xf32>
      %get3A_141 = arith.index_cast %scan3A_90 : i32 to index
      %get3A_142 = arith.constant 48 : index
      %get3A_143 = tpu.vector_load %arg8[%get3A_141, %get3A_142] {strides = array<i32>} : memref<512x64xf32, #tpu.memory_space<vmem>>, vector<1x16xf32>,
      %get3A_144 = vector.shape_cast %get3A_143 : vector<1x16xf32> to vector<16xf32>
      %get3A_145 = arith.index_cast %scan3A_90 : i32 to index
      %get3A_146 = arith.constant 48 : index
      %get3A_147 = tpu.vector_load %arg9[%get3A_145, %get3A_146] {strides = array<i32>} : memref<512x64xf32, #tpu.memory_space<vmem>>, vector<1x16xf32>,
      %get3A_148 = vector.shape_cast %get3A_147 : vector<1x16xf32> to vector<16xf32>
      %sub3A_149 = arith.subf %get3A_144, %get3A_148 : vector<16xf32>
      %add3A_150 = arith.addf %get3A_148, %sub3A_149 : vector<16xf32>
      %swap3A_151 = arith.index_cast %scan3A_90 : i32 to index
      %swap3A_152 = arith.constant 48 : index
      %swap3A_153 = tpu.vector_load %arg8[%swap3A_151, %swap3A_152] {strides = array<i32>} : memref<512x64xf32, #tpu.memory_space<vmem>>, vector<1x16xf32>,
      %swap3A_154 = vector.shape_cast %swap3A_153 : vector<1x16xf32> to vector<16xf32>
      %swap3A_155 = vector.shape_cast %add3A_150 : vector<16xf32> to vector<1x16xf32>
      tpu.vector_store %arg8[%swap3A_151, %swap3A_152], %swap3A_155 {strides = array<i32>} : memref<512x64xf32, #tpu.memory_space<vmem>>, vector<1x16xf32>,
      %mul3A_156 = arith.mulf %sub3A_149, %sub3A_149 : vector<16xf32>
      %add3A_157 = arith.addf %add3A_140, %mul3A_156 : vector<16xf32>
      scf.yield %add3A_157 : vector<16xf32>
    }
    %scan3A_86 = arith.constant 512 : i32
    %swap3A = arith.constant 0 : index
    %swap3A_87 = tpu.vector_load %arg10[%swap3A] {strides = array<i32>} : memref<16xf32, #tpu.memory_space<vmem>>, vector<16xf32>,
    %swap3A_88 = vector.shape_cast %swap3A_87 : vector<16xf32> to vector<16xf32>
    %swap3A_89 = vector.shape_cast %scan3A_85 : vector<16xf32> to vector<16xf32>
    tpu.vector_store %arg10[%swap3A], %swap3A_89 {strides = array<i32>} : memref<16xf32, #tpu.memory_space<vmem>>, vector<16xf32>,
    "tpu.region"() ({
      %run_scoped3A = tpu.sem_alloc : memref<!tpu.dma_semaphore, #tpu.memory_space<semaphore_mem>>
      %dma_start3A_90 = arith.constant 0 : i32
      %dma_start3A_91 = tpu.memref_slice %arg5[%mul3A_2, %dma_start3A_90] : memref<16384x64xf32, #tpu.memory_space<hbm>> -> memref<512x64xf32, #tpu.memory_space<hbm>>
      %dma_start3A_92 = arith.constant 0 : i32
      %dma_start3A_93 = tpu.memref_slice %arg5[%mul3A_2, %dma_start3A_92] : memref<16384x64xf32, #tpu.memory_space<hbm>> -> memref<512x64xf32, #tpu.memory_space<hbm>>
      tpu.enqueue_dma source(%arg8 : memref<512x64xf32, #tpu.memory_space<vmem>>) target(%dma_start3A_93 : memref<512x64xf32, #tpu.memory_space<hbm>>) target_semaphore(%run_scoped3A : memref<!tpu.dma_semaphore, #tpu.memory_space<semaphore_mem>>)
      %dma_wait3A_94 = arith.constant 0 : i32
      %dma_wait3A_95 = tpu.memref_slice %arg5[%mul3A_2, %dma_wait3A_94] : memref<16384x64xf32, #tpu.memory_space<hbm>> -> memref<512x64xf32, #tpu.memory_space<hbm>>
      %dma_wait3A_96 = arith.constant 0 : i32
      %dma_wait3A_97 = tpu.memref_slice %arg5[%mul3A_2, %dma_wait3A_96] : memref<16384x64xf32, #tpu.memory_space<hbm>> -> memref<512x64xf32, #tpu.memory_space<hbm>>
      tpu.wait_dma2 semaphore(%run_scoped3A : memref<!tpu.dma_semaphore, #tpu.memory_space<semaphore_mem>>) src(%arg8 : memref<512x64xf32, #tpu.memory_space<vmem>>) dst(%dma_wait3A_97 : memref<512x64xf32, #tpu.memory_space<hbm>>)
      tpu.yield
    }) : () -> ()
    "tpu.region"() ({
      %run_scoped3A = tpu.sem_alloc : memref<!tpu.dma_semaphore, #tpu.memory_space<semaphore_mem>>
      %dma_start3A_90 = arith.constant 0 : i32
      %dma_start3A_91 = tpu.memref_slice %arg6[%add3A, %dma_start3A_90] : memref<32x16xf32, #tpu.memory_space<hbm>> -> memref<1x16xf32, #tpu.memory_space<hbm>>
      %dma_start3A_92 = tpu.memref_squeeze %dma_start3A_91 : memref<1x16xf32, #tpu.memory_space<hbm>> -> memref<16xf32, #tpu.memory_space<hbm>>
      %dma_start3A_93 = arith.constant 0 : i32
      %dma_start3A_94 = tpu.memref_slice %arg6[%add3A, %dma_start3A_93] : memref<32x16xf32, #tpu.memory_space<hbm>> -> memref<1x16xf32, #tpu.memory_space<hbm>>
      %dma_start3A_95 = tpu.memref_squeeze %dma_start3A_94 : memref<1x16xf32, #tpu.memory_space<hbm>> -> memref<16xf32, #tpu.memory_space<hbm>>
      tpu.enqueue_dma source(%arg10 : memref<16xf32, #tpu.memory_space<vmem>>) target(%dma_start3A_95 : memref<16xf32, #tpu.memory_space<hbm>>) target_semaphore(%run_scoped3A : memref<!tpu.dma_semaphore, #tpu.memory_space<semaphore_mem>>)
      %dma_wait3A_96 = arith.constant 0 : i32
      %dma_wait3A_97 = tpu.memref_slice %arg6[%add3A, %dma_wait3A_96] : memref<32x16xf32, #tpu.memory_space<hbm>> -> memref<1x16xf32, #tpu.memory_space<hbm>>
      %dma_wait3A_98 = tpu.memref_squeeze %dma_wait3A_97 : memref<1x16xf32, #tpu.memory_space<hbm>> -> memref<16xf32, #tpu.memory_space<hbm>>
      %dma_wait3A_99 = arith.constant 0 : i32
      %dma_wait3A_100 = tpu.memref_slice %arg6[%add3A, %dma_wait3A_99] : memref<32x16xf32, #tpu.memory_space<hbm>> -> memref<1x16xf32, #tpu.memory_space<hbm>>
      %dma_wait3A_101 = tpu.memref_squeeze %dma_wait3A_100 : memref<1x16xf32, #tpu.memory_space<hbm>> -> memref<16xf32, #tpu.memory_space<hbm>>
      tpu.wait_dma2 semaphore(%run_scoped3A : memref<!tpu.dma_semaphore, #tpu.memory_space<semaphore_mem>>) src(%arg10 : memref<16xf32, #tpu.memory_space<vmem>>) dst(%dma_wait3A_101 : memref<16xf32, #tpu.memory_space<hbm>>)
      tpu.yield
    }) : () -> ()
    return
  }
}

module attributes {stable_mosaic.version = 14 : i64} {
  func.func @_dist_body(%arg0: i32, %arg1: memref<512x64xf32, #tpu.memory_space<vmem>>, %arg2: memref<8192x64xf32, #tpu.memory_space<vmem>>, %arg3: memref<1x8192xf32, #tpu.memory_space<vmem>>, %arg4: memref<1x8192xf32, #tpu.memory_space<vmem>>, %arg5: memref<1x4x128xi32, #tpu.memory_space<vmem>>) attributes {dimension_semantics = [#tpu.dimension_semantics<arbitrary>], iteration_bounds = array<i64: 32>, scalar_prefetch = 0 : i64, scratch_operands = 0 : i64, tpu.core_type = #tpu.core_type<tc>, window_params = [{transform_indices = @transform_0, window_bounds = array<i64: 512, 64>}, {pipeline_mode = #tpu.pipeline_mode<synchronous>, transform_indices = @transform_1, window_bounds = array<i64: 8192, 64>}, {pipeline_mode = #tpu.pipeline_mode<synchronous>, transform_indices = @transform_2, window_bounds = array<i64: 1, 8192>}, {pipeline_mode = #tpu.pipeline_mode<synchronous>, transform_indices = @transform_3, window_bounds = array<i64: 1, 8192>}, {transform_indices = @transform_4, window_bounds = array<i64: 1, 4, 128>}]} {
    %get3A = arith.constant 0 : index
    %get3A_0 = arith.constant 0 : index
    %get3A_1 = vector.load %arg1[%get3A, %get3A_0] : memref<512x64xf32, #tpu.memory_space<vmem>>, vector<512x64xf32>
    %mul3A = arith.mulf %get3A_1, %get3A_1 : vector<512x64xf32>
    %reduce_sum3A = arith.constant dense<0.000000e+00> : vector<512xf32>
    %reduce_sum3A_2 = vector.multi_reduction <add>, %mul3A, %reduce_sum3A [1] : vector<512x64xf32> to vector<512xf32>
    %broadcast_in_dim3A = vector.shape_cast %reduce_sum3A_2 : vector<512xf32> to vector<512x1xf32>
    %get3A_3 = arith.constant 0 : index
    %get3A_4 = arith.constant 0 : index
    %get3A_5 = vector.load %arg2[%get3A_3, %get3A_4] : memref<8192x64xf32, #tpu.memory_space<vmem>>, vector<8192x64xf32>
    %dot_general3A = arith.constant dense<0.000000e+00> : vector<512x8192xf32>
    %dot_general3A_6 = tpu.matmul %get3A_1, %get3A_5, %dot_general3A {dimension_numbers = #tpu.dot_dimension_numbers<[1], [1], [0], [0], [0, 0, 1, 0], [], []>, transpose_lhs_hint = false} : vector<512x64xf32>, vector<8192x64xf32>, vector<512x8192xf32> -> vector<512x8192xf32>
    %get3A_7 = arith.constant 0 : index
    %get3A_8 = arith.constant 0 : index
    %get3A_9 = vector.load %arg3[%get3A_7, %get3A_8] : memref<1x8192xf32, #tpu.memory_space<vmem>>, vector<1x8192xf32>
    %add3A = vector.broadcast %broadcast_in_dim3A : vector<512x1xf32> to vector<512x8192xf32>
    %add3A_10 = vector.broadcast %get3A_9 : vector<1x8192xf32> to vector<512x8192xf32>
    %add3A_11 = arith.addf %add3A, %add3A_10 : vector<512x8192xf32>
    %mul3A_12 = arith.constant 2.000000e+00 : f32
    %mul3A_13 = vector.broadcast %mul3A_12 : f32 to vector<512x8192xf32>
    %mul3A_14 = arith.mulf %mul3A_13, %dot_general3A_6 : vector<512x8192xf32>
    %sub3A = arith.subf %add3A_11, %mul3A_14 : vector<512x8192xf32>
    %reduce_min3A = arith.constant dense<0x7F800000> : vector<512xf32>
    %reduce_min3A_15 = vector.multi_reduction <minimumf>, %sub3A, %reduce_min3A [1] : vector<512x8192xf32> to vector<512xf32>
    %broadcast_in_dim3A_16 = vector.shape_cast %reduce_min3A_15 : vector<512xf32> to vector<512x1xf32>
    %eq3A = vector.broadcast %broadcast_in_dim3A_16 : vector<512x1xf32> to vector<512x8192xf32>
    %eq3A_17 = arith.cmpf oeq, %sub3A, %eq3A : vector<512x8192xf32>
    %get3A_18 = arith.constant 0 : index
    %get3A_19 = arith.constant 0 : index
    %get3A_20 = vector.load %arg4[%get3A_18, %get3A_19] : memref<1x8192xf32, #tpu.memory_space<vmem>>, vector<1x8192xf32>
    %jit3A = arith.constant 1.000000e+09 : f32
    %broadcast_in_dim3A_21 = vector.shape_cast %get3A_20 : vector<1x8192xf32> to vector<1x8192xf32>
    %broadcast_in_dim3A_22 = vector.broadcast %broadcast_in_dim3A_21 : vector<1x8192xf32> to vector<512x8192xf32>
    %broadcast_in_dim3A_23 = vector.broadcast %jit3A : f32 to vector<512x8192xf32>
    %select_n3A = arith.select %eq3A_17, %broadcast_in_dim3A_22, %broadcast_in_dim3A_23 : vector<512x8192xi1>, vector<512x8192xf32>
    %reduce_min3A_24 = arith.constant dense<0x7F800000> : vector<512xf32>
    %reduce_min3A_25 = vector.multi_reduction <minimumf>, %select_n3A, %reduce_min3A_24 [1] : vector<512x8192xf32> to vector<512xf32>
    %convert_element_type3A = arith.fptosi %reduce_min3A_25 : vector<512xf32> to vector<512xi32>
    %reshape3A = vector.shape_cast %convert_element_type3A : vector<512xi32> to vector<1x4x128xi32>
    %swap3A = arith.constant 0 : index
    %swap3A_26 = arith.constant 0 : index
    %swap3A_27 = arith.constant 0 : index
    %swap3A_28 = vector.load %arg5[%swap3A, %swap3A_26, %swap3A_27] : memref<1x4x128xi32, #tpu.memory_space<vmem>>, vector<1x4x128xi32>
    tpu.vector_store %arg5[%swap3A, %swap3A_26, %swap3A_27], %reshape3A {strides = array<i32>} : memref<1x4x128xi32, #tpu.memory_space<vmem>>, vector<1x4x128xi32>,
    return
  }
  func.func @transform_0(%arg0: i32) -> (i32, i32) {
    %c0_i32 = arith.constant 0 : i32
    %c0_i32_0 = arith.constant 0 : i32
    return %arg0, %c0_i32 : i32, i32
  }
  func.func @transform_1(%arg0: i32) -> (i32, i32) {
    %c0_i32 = arith.constant 0 : i32
    %c0_i32_0 = arith.constant 0 : i32
    %c0_i32_1 = arith.constant 0 : i32
    return %c0_i32, %c0_i32_0 : i32, i32
  }
  func.func @transform_2(%arg0: i32) -> (i32, i32) {
    %c0_i32 = arith.constant 0 : i32
    %c0_i32_0 = arith.constant 0 : i32
    %c0_i32_1 = arith.constant 0 : i32
    return %c0_i32, %c0_i32_0 : i32, i32
  }
  func.func @transform_3(%arg0: i32) -> (i32, i32) {
    %c0_i32 = arith.constant 0 : i32
    %c0_i32_0 = arith.constant 0 : i32
    %c0_i32_1 = arith.constant 0 : i32
    return %c0_i32, %c0_i32_0 : i32, i32
  }
  func.func @transform_4(%arg0: i32) -> (i32, i32, i32) {
    %c0_i32 = arith.constant 0 : i32
    %c0_i32_0 = arith.constant 0 : i32
    %c0_i32_1 = arith.constant 0 : i32
    return %arg0, %c0_i32, %c0_i32_0 : i32, i32, i32
  }
}

</mosaic_0001>

<sc_bundles>
// kernel: kernel.4.cloned.1.call-start
scs
__scs_entry_jumppad:
0x0: {  	(pc) =	sbr.rel $0x88, $3  }
0x1: {  	(tag) =	ssettag $0x0;
	lr =	simm.s32 $0x1  }
0x2: {  	[smem:$0x3F9F] =	sst lr;
	_ =	strace $0xD0000000  }
0x3: {  	_ = 	snop  }
0x4: {  	_ = 	snop  }
0x5: {  	_ = 	snop  }
0x6: {  	_ = 	snop  }
0x7: {  	_ = 	snop  }
__scs_overlays_trampoline_lowered:
0x8: {  	[smem:$0x3FAE] =	sst s0  }
0x9: {  	[smem:$0x3FAF] =	sst s1  }
0xa: {  	[smem:$0x3FB0] =	sst s2  }
0xb: {  	[smem:$0x3FB1] =	sst s3  }
0xc: {  	[smem:$0x3FB2] =	sst s4  }
0xd: {  	[smem:$0x3FB3] =	sst s5  }
0xe: {  	[smem:$0x3FB4] =	sst s6  }
0xf: {  	[smem:$0x3FB5] =	sst s7  }
0x10: {  	[smem:$0x3FB6] =	sst s8  }
0x11: {  	[smem:$0x3FB7] =	sst s9;
	s0 =	simm.s32 @!p0 $0x0  }
0x12: {  	s1 =	sld [smem:$0x3F9D];
	s0 =	simm.s32 @p0 $0x1  }
0x13: {  	[smem:$0x3FB8] =	sst s0;
	s0 =	simm.s32 @!p1 $0x0  }
0x14: {  	s2 =	sld [smem:$0x3F9C];
	s0 =	simm.s32 @p1 $0x1  }
0x15: {  	[smem:$0x3FB9] =	sst s0;
	s0 =	simm.s32 @!p2 $0x0  }
0x16: {  	s3 =	sld [smem:$0x3FDB];
	s0 =	simm.s32 @p2 $0x1  }
0x17: {  	s4 =	simm.s32 $0x1BF5;
	[smem:$0x3FBB] =	sst s0  }
0x18: {  	s0 =	sld [smem:$0x3F9E];
	_ =	swait.ge [sflag:s4], $0x0  }
0x19: {  	s7 =	sld [smem:$0x3F9F]  }
0x1a: {  	s8 =	sadd.s32 $0xFFFFE003, lr  }
0x1b: {  	s9 =	sadd.s32 $0xFFFFFEF7, lr;
	s5 =	simm.s32 $0xFFFFFFFF;
	p2 =	slt.u32 s8, $0xFFFFF086  }
0x1c: {  	p1 =	slt.u32 s9, $0xF7A;
	s5 =	simm.s32 @!p2 $0x0  }
0x1d: {  	s5 =	simm.s32 @p1 $0x1;
	p0 =	seq.s32 s7, s2  }
0x1e: {  	s7 =	smul.u32 @!p0 $0xF7A, s2;
	p2 =	seq.s32 @!p0 s5, $0x0  }
0x1f: {  	s9 =	smul.u32 $0xF7A, s1;
	s8 =	simm.s32 @!p0 $0x1BF5;
	p2 =	por !p2, p0  }
0x20: {  	[sflag:s8] =	ssyncset.s32 @!p0 $0xFFFFF086;
	s6 =	sadd.s32 @!p0 s3, s7;
	s7 =	simm.s32 @!p0 $0x108  }
0x21: {  	s3 =	sadd.s32 s3, s9;
	s6 =	sadd.s32 @!p0 $0x88, s6;
	s7 =	simm.s32 @p2 $0x1082  }
0x22: {  	[simem:s7], [sflag:s8] =	dma.local @!p0 [hbm:s6], $0xF7A  }
0x23: {  	s9 =	sor.u32 $0xD0000000, s2;
	s6 =	simm.s32 $0x108;
	_ =	swait.ge @!p0 [sflag:s8], $0x0  }
0x24: {  	s3 =	sadd.s32 $0x88, s3;
	s6 =	simm.s32 @!p1 $0x1082;
	[sflag:s4] =	ssyncset.s32 $0xFFFFF086  }
0x25: {  	[simem:s6], [sflag:s4] =	dma.local [hbm:s3], $0xF7A  }
0x26: {  	[smem:$0x3F9F] =	sst s1;
	(tag) =	ssettag s2;
	_ =	strace s9  }
0x27: {  	s1 =	sld [smem:$0x3FAF]  }
0x28: {  	s2 =	sld [smem:$0x3FB0]  }
0x29: {  	s4 =	sld [smem:$0x3FB2]  }
0x2a: {  	p0 =	seq.s32 s5, $0x0;
	s5 =	sld [smem:$0x3FB3]  }
0x2b: {  	s6 =	sld [smem:$0x3FB4]  }
0x2c: {  	s7 =	sld [smem:$0x3FB5]  }
0x2d: {  	s3 =	simm.s32 $0x108;
	s8 =	sld [smem:$0x3FB6]  }
0x2e: {  	s3 =	simm.s32 @!p0 $0x1082;
	s9 =	sld [smem:$0x3FB7]  }
0x2f: {  	lr =	sadd.s32 s0, s3;
	s0 =	sld [smem:$0x3FAE]  }
0x30: {  	s3 =	sld [smem:$0x3FB1]  }
0x31: {  	[smem:$0x3FBA] =	sst s10  }
0x32: {  	s10 =	sld [smem:$0x3FB8];
	_ =	sdelay $0x3  }
0x33: {  	p0 =	seq.s32 s10, $0x1;
	s10 =	sld [smem:$0x3FBA];
	_ =	sdelay $0x3  }
0x34: {  	[smem:$0x3FBA] =	sst s10  }
0x35: {  	s10 =	sld [smem:$0x3FB9];
	_ =	sdelay $0x3  }
0x36: {  	p1 =	seq.s32 s10, $0x1;
	s10 =	sld [smem:$0x3FBA];
	_ =	sdelay $0x3  }
0x37: {  	[smem:$0x3FBA] =	sst s10  }
0x38: {  	s10 =	sld [smem:$0x3FBB]  }
0x39: {  	_ = 	snop;
	(pc) =	sbr.ind lr, $3  }
0x3a: {  	_ = 	snop  }
0x3b: {  	_ = 	snop  }
0x3c: {  	p2 =	seq.s32 s10, $0x1;
	s10 =	sld [smem:$0x3FBA]  }
0x3d: {  	_ =	shalt  }
0x3e: {  	_ =	shalt  }
0x3f: {  	_ =	shalt  }
0x40: {  	_ =	shalt  }
0x41: {  	_ =	shalt  }
0x42: {  	_ =	shalt  }
0x43: {  	_ =	shalt  }
0x44: {  	_ =	shalt  }
0x45: {  	_ =	shalt  }
0x46: {  	_ =	shalt  }
0x47: {  	_ =	shalt  }
0x48: {  	_ =	shalt  }
0x49: {  	_ =	shalt  }
0x4a: {  	_ =	shalt  }
0x4b: {  	_ =	shalt  }
0x4c: {  	_ =	shalt  }
0x4d: {  	_ =	shalt  }
0x4e: {  	_ =	shalt  }
0x4f: {  	_ =	shalt  }
0x50: {  	_ =	shalt  }
0x51: {  	_ =	shalt  }
0x52: {  	_ =	shalt  }
0x53: {  	_ =	shalt  }
0x54: {  	_ =	shalt  }
0x55: {  	_ =	shalt  }
0x56: {  	_ =	shalt  }
0x57: {  	_ =	shalt  }
0x58: {  	_ =	shalt  }
0x59: {  	_ =	shalt  }
0x5a: {  	_ =	shalt  }
0x5b: {  	_ =	shalt  }
0x5c: {  	_ =	shalt  }
0x5d: {  	_ =	shalt  }
0x5e: {  	_ =	shalt  }
0x5f: {  	_ =	shalt  }
0x60: {  	_ =	shalt  }
0x61: {  	_ =	shalt  }
0x62: {  	_ =	shalt  }
0x63: {  	_ =	shalt  }
0x64: {  	_ =	shalt  }
0x65: {  	_ =	shalt  }
0x66: {  	_ =	shalt  }
0x67: {  	_ =	shalt  }
0x68: {  	_ =	shalt  }
0x69: {  	_ =	shalt  }
0x6a: {  	_ =	shalt  }
0x6b: {  	_ =	shalt  }
0x6c: {  	_ =	shalt  }
0x6d: {  	_ =	shalt  }
0x6e: {  	_ =	shalt  }
0x6f: {  	_ =	shalt  }
0x70: {  	_ =	shalt  }
0x71: {  	_ =	shalt  }
0x72: {  	_ =	shalt  }
0x73: {  	_ =	shalt  }
0x74: {  	_ =	shalt  }
0x75: {  	_ =	shalt  }
0x76: {  	_ =	shalt  }
0x77: {  	_ =	shalt  }
0x78: {  	_ =	shalt  }
0x79: {  	_ =	shalt  }
0x7a: {  	_ =	shalt  }
0x7b: {  	_ =	shalt  }
0x7c: {  	_ =	shalt  }
0x7d: {  	_ =	shalt  }
0x7e: {  	_ =	shalt  }
0x7f: {  	_ =	shalt  }
0x80: {  	_ =	shalt  }
0x81: {  	_ =	shalt  }
0x82: {  	_ =	shalt  }
0x83: {  	_ =	shalt  }
0x84: {  	_ =	shalt  }
0x85: {  	_ =	shalt  }
0x86: {  	_ =	shalt  }
0x87: {  	_ =	shalt  }
.Lfunc_end0:
.L_simem_size_0:
called_computation_lowered:
.L_overlay_start_0:
0x88: {  	s2 =	sld [smem:$0x3FD9]  }
0x89: {  	s3 =	sld [smem:$0x3FFE];
	_ =	sdelay $0x1  }
0x8a: {  	s1 =	srdreg.scid  }
0x8b: {  	s0 =	sand.u32 $0x1, s1  }
0x8c: {  	s14 =	sshll.u32 s0, $0xA;
	s2 =	sadd.s32 s3, s2  }
0x8d: {  	s2 =	sadd.s32 s2, s14  }
0x8e: {  	[smem:$0x3FC6] =	sst s2  }
0x8f: {  	_ = 	snop  }
0x90: {  	s2 =	sld [smem:$0x3FD0];
	_ =	sdelay $0x2  }
0x91: {  	s15 =	simm.s32 $0xA;
	s4 =	simm.s32 $0x10  }
0x92: {  	[smem:s4], [sflag:s15] =	dma.local [hbm:s2], $0x1  }
0x93: {  	_ =	swait.eq [sflag:s15], $0x1  }
0x94: {  	[sflag:s15] =	ssyncset.done $0x0  }
0x95: {  	s16 =	sld [smem:$0x10];
	[sflag:s15] =	ssyncadd.s32 $0xFFFFFFFF  }
0x96: {  	s17 =	sld [smem:$0x12];
	(tm) =	ssettm $0x1  }
0x97: {  	s18 =	sld [smem:$0x3FFB];
	_ =	sdelay $0x3  }
0x98: {  	_ =	strace s18  }
0x99: {  	s4 =	sld [smem:$0x3FFC];
	_ =	sdelay $0x3  }
0x9a: {  	_ =	strace s4  }
0x9b: {  	s4 =	sld [smem:$0x3FFD];
	_ =	sdelay $0x3  }
0x9c: {  	_ =	strace s4  }
0x9d: {  	_ =	strace $0x8FFFFFFF  }
0x9e: {  	s19 =	sld [smem:$0x3FDB];
	_ =	sdelay $0x1  }
0x9f: {  	s5 =	simm.s32 $_scs_section_size  }
0xa0: {  	s6 =	simm.s32 $_size__tile_overlayer_lowered;
	s7 =	simm.s32 $_tile_overlayer_lowered  }
0xa1: {  	s22 =	simm.s32 $0x1BFF;
	s21 =	sshll.u32 s7, $0x1;
	s4 =	sadd.s32 s5, s19  }
0xa2: {  	s8 =	simm.s32 $0x0;
	s20 =	sshll.u32 s6, $0x1;
	s6 =	sadd.s32 s21, s4  }
0xa3: {  	[timem:s8], [sflag:s22] =	dma.local [hbm:s6], s20  }
0xa4: {  	_ =	swait.ge [sflag:s22], s20  }
0xa5: {  	s5 =	ssub.s32 $0x0, s20;
	[sflag:s22] =	ssyncset.done $0x0  }
0xa6: {  	[sflag:s22] =	ssyncadd.s32 s5;
	_ =	sdelay $0x1  }
0xa7: {  	s23 =	simm.s32 $0x1B8B  }
0xa8: {  	_ =	swait.ge [sflag:s23], $0x1  }
0xa9: {  	[sflag:s23] =	ssyncset.done $0x0  }
0xaa: {  	s25 =	simm.s32 $0x1B8E;
	s24 =	sld [smem:$0x3FFE];
	[sflag:s23] =	ssyncadd.s32 $0xFFFFFFFF  }
0xab: {  	s26 =	simm.s32 $execute0_lowered;
	[smem:$0x3FD2] =	sst s25  }
0xac: {  	s6 =	sshll.u32 s26, $0x1;
	_ =	strace $0x80000046;
	[dreg:$0x1] =	wrdreg $0xFFFFFFFF  }
0xad: {  	s28 =	simm.s32 $_size_execute0_lowered;
	s4 =	sadd.s32 s4, s6;
	[dreg:$0x0] =	wrdreg $0x0  }
0xae: {  	s6 =	sshll.u32 s28, $0x1;
	[dreg:$0x2] =	wrdreg s4  }
0xaf: {  	[dreg:$0x3] =	wrdreg s6  }
0xb0: {  	[dreg:$0x4] =	wrdreg $0xC0  }
0xb1: {  	_ =	task [dreg:s8], $0x5FFFF  }
0xb2: {  	[dreg:$0x1] =	wrdreg $0xFFFFFFFF  }
0xb3: {  	[dreg:$0x0] =	wrdreg $0x60  }
0xb4: {  	[dreg:$0x2] =	wrdreg s24  }
0xb5: {  	[dreg:$0x3] =	wrdreg s17  }
0xb6: {  	[dreg:$0x4] =	wrdreg s16  }
0xb7: {  	[dreg:$0x5] =	wrdreg $0x9  }
0xb8: {  	_ =	task.clear_ibuf [dreg:s8], $0x6FFFF;
	_ =	strace $0x90000046  }
0xb9: {  	s29 =	simm.s32 $0x9;
	_ =	strace $0x80000048  }
0xba: {  	_ =	swait.ge [sflag:s29], $0x1  }
0xbb: {  	[sflag:s29] =	ssyncadd.s32 $0xFFFFFFFF  }
0xbc: {  	_ =	strace $0x90000048  }
0xbd: {  	_ =	sfence  }
0xbe: {  	s30 =	sld [smem:$0x0];
	_ =	sdelay $0x2  }
0xbf: {  	s31 =	sshll.u32 s1, $0xD;
	s1 =	sshrl.u32 s1, $0x2  }
0xc0: {  	s3 =	sand.u32 $0x4000, s31;
	s1 =	sadd.s32 s1, s30  }
0xc1: {  	s0 =	sor.u32 s3, s0;
	s1 =	sshll.u32 s1, $0x11  }
0xc2: {  	s0 =	sor.u32 s1, s0  }
0xc3: {  	s0 =	sadd.s32 $0x8F2B, s0  }
0xc4: {  	[sflag:s0] =	ssyncadd.remote.s32 $0x1  }
0xc5: {  	_ =	sfence.sel $0xFFFF  }
0xc6: {  	[dreg:$0x0] =	wrdreg $0xFFFFFFFF;
	(pc) =	sbr.abs _section_cstart, $3  }
0xc7: {  	[dreg:$0x1] =	wrdreg $0xFFFFFFFF  }
0xc8: {  	_ =	task.clear_ibuf [dreg:s8], $0x2FFFF;
	_ =	strace $0x9FFFFFFF  }
0xc9: {  	(tm) =	ssettm $0x7FFFFFFF  }
tec
execute0_lowered:
.L_overlay_start_1:
0x0: {  	(tag) =	ssettag $0x1  }
0x1: {  	s1 =	rddreg [dreg:$0x0]  }
0x2: {  	s4 =	rddreg [dreg:$0x1]  }
0x3: {  	s5 =	rddreg [dreg:$0x2]  }
0x4: {  	s0 =	rddreg [dreg:$0x3]  }
0x5: {  	s6 =	srdreg.scid;
	s2 =	stileid.u32;
	s3 =	simm.s32 $0x0  }
0x6: {  	s12 =	simm.s32 $0x2200;
	s13 =	simm.s32 $0x100;
	s14 =	simm.s32 $0x4200  }
0x7: {  	s15 =	simm.s32 $0x180;
	s16 =	simm.s32 $0x6200;
	s17 =	simm.s32 $0x8200  }
0x8: {  	s18 =	simm.s32 $0x1;
	s19 =	simm.s32 $0x10200;
	s20 =	simm.s32 $0x0  }
0x9: {  	s6 =	sand.u32 $0x1, s6;
	s7 =	sshll.u32 s2, $0x1;
	[smem:$0x7FF] =	sst s3  }
0xa: {  	s7 =	sor.u32 s6, s7;
	_ =	strace $0x80000047;
	s6 =	ssub.s32 $0x2, s6  }
0xb: {  	s8 =	sshll.u32 s7, $0xC;
	s10 =	sshll.u32 s7, $0x1;
	s11 =	sshrl.u32 s6, $0x1  }
0xc: {  	s7 =	sshll.u32 s7, $0x6;
	s9 =	sadd.s32 s8, s1;
	s10 =	sadd.s32 s10, s1  }
0xd: {  	s11 =	ssub.s32 s6, s11;
	s4 =	sadd.s32 s4, s7;
	s5 =	sadd.s32 s5, s8  }
0xe: {  	s6 =	sadd.s32 $0x10200, s9;
	s7 =	sadd.s32 $0x10000, s10;
	s8 =	smax.u32 s11, $0x1  }
0xf: {  	s9 =	simm.s32 $0x2;
	s10 =	simm.s32 $0x80;
	s11 =	simm.s32 $0x200  }
.LBB2_1:
0x10: {  	[tilespmem:s3], [sflag:$0x2] =	stream.linear.gather [hbm4b:s4+s3], $0x200, $0x38;
	[tilespmem:$0x10210] =	vst v63  }
0x11: {  	_ =	swait.ge [sflag:s9], $0x200  }
0x12: {  	[sflag:s9] =	ssyncset.done $0x0  }
0x13: {  	[sflag:s9] =	ssyncadd.s32 $0xFFFFFE00  }
0x14: {  	[tilespmem:s11], [sflag:$0x1] =	stream.indirect.gather [hbm4b:s1+s10], $0x40, s3, s10, $0xb8;
	[tilespmem:$0x10210] =	vst v63  }
0x15: {  	_ = 	snop  }
0x16: {  	[tilespmem:s12], [sflag:$0x1] =	stream.indirect.gather [hbm4b:s1+s10], $0x40, s10, s10, $0xb8;
	[tilespmem:$0x10210] =	vst v63  }
0x17: {  	_ = 	snop  }
0x18: {  	[tilespmem:s14], [sflag:$0x1] =	stream.indirect.gather [hbm4b:s1+s10], $0x40, s13, s10, $0xb8;
	[tilespmem:$0x10210] =	vst v63  }
0x19: {  	_ = 	snop  }
0x1a: {  	[tilespmem:s16], [sflag:$0x1] =	stream.indirect.gather [hbm4b:s1+s10], $0x40, s15, s10, $0xb8;
	[tilespmem:$0x10210] =	vst v63  }
0x1b: {  	_ = 	snop  }
0x1c: {  	[tilespmem:s17], [sflag:$0x2] =	stream.linear.gather [hbm4b:s5+s3], $0x8000, $0x38;
	[tilespmem:$0x10210] =	vst v63  }
0x1d: {  	_ =	swait.ge [sflag:s9], $0x8000  }
0x1e: {  	[sflag:s9] =	ssyncset.done $0x0  }
0x1f: {  	[sflag:s9] =	ssyncadd.s32 $0xFFFF8000  }
0x20: {  	_ =	swait.ge [sflag:s18], $0x2000  }
0x21: {  	[sflag:s18] =	ssyncset.done $0x0  }
0x22: {  	[sflag:s18] =	ssyncadd.s32 $0xFFFFE000  }
0x23: {  	_ =	swait.ge [sflag:s18], $0x2000  }
0x24: {  	[sflag:s18] =	ssyncset.done $0x0  }
0x25: {  	[sflag:s18] =	ssyncadd.s32 $0xFFFFE000  }
0x26: {  	_ =	swait.ge [sflag:s18], $0x2000  }
0x27: {  	[sflag:s18] =	ssyncset.done $0x0  }
0x28: {  	[sflag:s18] =	ssyncadd.s32 $0xFFFFE000  }
0x29: {  	_ =	swait.ge [sflag:s18], $0x2000  }
0x2a: {  	[sflag:s18] =	ssyncset.done $0x0  }
0x2b: {  	s22 =	simm.s32 $0x0;
	[sflag:s18] =	ssyncadd.s32 $0xFFFFE000  }
0x2c: {  	v1 =	vld [tilespmem:s22+$0x8220]  }
0x2d: {  	v11 =	vld [tilespmem:s22+$0x8230]  }
0x2e: {  	v0 =	vld [tilespmem:s22+$0x220]  }
0x2f: {  	v4 =	vld [tilespmem:s22+$0x8210]  }
0x30: {  	v2 =	vld [tilespmem:s22+$0x210]  }
0x31: {  	v6 =	vld [tilespmem:s22+$0x8200]  }
0x32: {  	v5 =	vld [tilespmem:s22+$0x200]  }
0x33: {  	v7 =	vld [tilespmem:s22+$0x230]  }
0x34: {  	v3 =	vsub.f32 v0, v1  }
0x35: {  	s21 =	simm.s32 $0x40;
	v8 =	vsub.f32 v2, v4  }
0x36: {  	v0 =	vld [tilespmem:s21+$0x8220];
	v9 =	vadd.f32 v3, v1  }
0x37: {  	v2 =	vld [tilespmem:s21+$0x8230];
	v10 =	vsub.f32 v5, v6;
	v12 =	vadd.f32 v8, v4  }
0x38: {  	v1 =	vld [tilespmem:s21+$0x8210];
	v4 =	vsub.f32 v7, v11;
	[tilespmem:s22+$0x220] =	vst v9  }
0x39: {  	v9 =	vadd.f32 v10, v6;
	v10 =	vmul.f32 v10, v10;
	v5 =	vld [tilespmem:s21+$0x220];
	[tilespmem:s22+$0x210] =	vst v12  }
0x3a: {  	s23 =	simm.s32 $0x200;
	v7 =	vimm.f32 $0.0e+00;
	v8 =	vmul.f32 v8, v8;
	v11 =	vadd.f32 v4, v11;
	v6 =	vld [tilespmem:s21+$0x210]  }
.LBB2_2:
0x3b: {  	p0 =	sne.s32 s23, $0x1FF00;
	v12 =	vld [tilespmem:s21+$0x8200];
	[tilespmem:s22+$0x200] =	vst v9;
	v7 =	vadd.f32 v10, v7;
	s24 =	smov.u32 s23;
	s23 =	sadd.s32 $0x100, s23  }
0x3c: {  	v9 =	vld [tilespmem:s21+$0x200];
	[tilespmem:s22+$0x230] =	vst v11;
	v11 =	vmov v2;
	s22 =	smov.u32 s21  }
0x3d: {  	v10 =	vld [tilespmem:s22+$0x230];
	v2 =	vadd.f32 v8, v7;
	v7 =	vmul.f32 v3, v3  }
0x3e: {  	v3 =	vsub.f32 v5, v0  }
0x3f: {  	s21 =	sshra.s32 s24, $0x2;
	v8 =	vsub.f32 v6, v1;
	v5 =	vadd.f32 v7, v2;
	v6 =	vmul.f32 v4, v4  }
.Ltmp0:
0x40: {  	v4 =	vadd.f32 v3, v0;
	v0 =	vld [tilespmem:s21+$0x8220];
	(pc) =	sbr.rel @p0 .LBB2_2-.Ltmp0, $4  }
0x41: {  	v2 =	vld [tilespmem:s21+$0x8230];
	v13 =	vsub.f32 v9, v12;
	v14 =	vadd.f32 v8, v1  }
0x42: {  	v7 =	vadd.f32 v6, v5;
	v1 =	vld [tilespmem:s21+$0x8210];
	[tilespmem:s22+$0x220] =	vst v4;
	v4 =	vsub.f32 v10, v11  }
0x43: {  	v5 =	vld [tilespmem:s21+$0x220];
	v9 =	vadd.f32 v13, v12;
	v10 =	vmul.f32 v13, v13;
	[tilespmem:s22+$0x210] =	vst v14  }
0x44: {  	v8 =	vmul.f32 v8, v8;
	v6 =	vld [tilespmem:s21+$0x210];
	v11 =	vadd.f32 v4, v11  }
0x45: {  	v12 =	vld [tilespmem:s21+$0x8200];
	[tilespmem:s22+$0x200] =	vst v9  }
0x46: {  	v9 =	vld [tilespmem:s21+$0x200]  }
0x47: {  	v7 =	vadd.f32 v10, v7;
	_ =	sdelay $0x1  }
0x48: {  	v3 =	vmul.f32 v3, v3;
	v7 =	vadd.f32 v8, v7;
	_ =	sdelay $0x1  }
0x49: {  	v4 =	vmul.f32 v4, v4;
	[tilespmem:s22+$0x230] =	vst v11;
	v3 =	vadd.f32 v3, v7;
	v55 =	vsub.f32 v9, v12  }
0x4a: {  	v56 =	vld [tilespmem:s21+$0x230]  }
0x4b: {  	v6 =	vsub.f32 v6, v1;
	v3 =	vadd.f32 v4, v3;
	v57 =	vmul.f32 v55, v55  }
0x4c: {  	v5 =	vsub.f32 v5, v0  }
0x4d: {  	v58 =	vmul.f32 v6, v6;
	v3 =	vadd.f32 v57, v3  }
0x4e: {  	v0 =	vadd.f32 v5, v0  }
0x4f: {  	v5 =	vmul.f32 v5, v5;
	v59 =	vsub.f32 v56, v2;
	v3 =	vadd.f32 v58, v3  }
0x50: {  	v1 =	vadd.f32 v6, v1  }
0x51: {  	[tilespmem:s21+$0x220] =	vst v0;
	v60 =	vadd.f32 v55, v12;
	v61 =	vmul.f32 v59, v59;
	v3 =	vadd.f32 v5, v3  }
0x52: {  	[tilespmem:s21+$0x210] =	vst v1;
	v62 =	vadd.f32 v59, v2  }
0x53: {  	[tilespmem:s21+$0x200] =	vst v60;
	v63 =	vadd.f32 v61, v3  }
0x54: {  	[tilespmem:s21+$0x230] =	vst v62  }
0x55: {  	[tilespmem:$0x10200] =	vst v63  }
0x56: {  	[hbm4b:s6+s3] =	stream.linear.scatter [tilespmem:s11], [sflag:$0x2], $0x8000, $0x38;
	[tilespmem:$0x10210] =	vst v63  }
0x57: {  	s20 =	sadd.s32 $0x1, s20;
	_ =	swait.ge [sflag:s9], $0x8000  }
0x58: {  	p0 =	sne.s32 s20, s8;
	[sflag:s9] =	ssyncset.done $0x0  }
.Ltmp1:
0x59: {  	[sflag:s9] =	ssyncadd.s32 $0xFFFF8000;
	(pc) =	sbr.rel @p0 .LBB2_1-.Ltmp1, $4  }
0x5a: {  	[hbm4b:s7+s3] =	stream.linear.scatter [tilespmem:s19], [sflag:$0x2], $0x10, $0x38;
	[tilespmem:$0x10210] =	vst v63  }
0x5b: {  	_ =	swait.ge [sflag:s9], $0x10  }
0x5c: {  	[sflag:s9] =	ssyncset.done $0x0  }
0x5d: {  	[sflag:s9] =	ssyncadd.s32 $0xFFFFFFF0  }
0x5e: {  	_ =	sfence.sel $0x180000  }
0x5f: {  	[bflag:$0x0] =	sbarrier.arrive $0xFFFF  }
0x60: {  	p0 =	sne.s32 s2, $0x0;
	_ =	strace $0x90000047  }
0x61: {  	s0 =	sadd.s32 @!p0 $0x100000, s0;
	[bflag:$0x2] =	sbarrier.arrive $0xFFFF  }
0x62: {  	[sflag:s0] =	ssyncadd.tile.s32 @!p0 $0x1;
	_ =	shalt  }
.Lfunc_end2:
_tile_overlayer_lowered:
.L_overlay_start_2:
0x63: {  	(tag) =	ssettag $0x2  }
0x64: {  	s0 =	rddreg [dreg:$0x0];
	s2 =	stileid.u32  }
0x65: {  	s1 =	rddreg [dreg:$0x1];
	p0 =	sne.s32 s2, $0x0  }
0x66: {  	s3 =	rddreg [dreg:$0x2];
	[bflag:$0x3] =	sbarrier.arrive $0xFFFF;
	s2 =	simm.s32 @!p0 $0x1C02  }
0x67: {  	[timem:s3], [sflag:s2] =	dma.local @!p0 [hbm:s0], s1  }
0x68: {  	s0 =	simm.s32 @!p0 $0x2  }
0x69: {  	_ =	swait.ge @!p0 [sflag:s0], s1  }
0x6a: {  	s1 =	ssub.s32 @!p0 $0x0, s1;
	[sflag:s0] =	ssyncset.done @!p0 $0x0  }
0x6b: {  	[sflag:s0] =	ssyncadd.s32 @!p0 s1  }
0x6c: {  	[bflag:$0x3] =	sbarrier.arrive $0xFFFF  }
0x6d: {  	_ =	shalt  }

</sc_bundles>
